<compile_context>
chip_gen: v7x
topology: tpu7x:2x2x1
jax: 0.10.2.dev20260603
libtpu: 0.0.44.dev20260713+nightly
codegen_flags: <defaults>
</compile_context>

<pallas_src>
import functools

import jax
import jax.numpy as jnp
from jax import lax
from jax.experimental import pallas as pl
from jax.experimental.pallas import tpu as pltpu
from jax.experimental.pallas import tpu_sc as plsc

B, S = 4096, 200
N = B * S
V = 1_000_000
NC, NS = 2, 16
NW = NC * NS
N_PER_W = N // NW
STAGE = 62496
NSUB = 6
SUBSTAGE = STAGE // NSUB
STAGE_TAIL = V - NS * STAGE
KHBM = 4768
SEG = (0, 10416, 20832, 25600)

_mesh = plsc.VectorSubcoreMesh(core_axis_name="c", subcore_axis_name="s")


@functools.partial(
    pl.kernel,
    mesh=_mesh,
    out_type=jax.ShapeDtypeStruct((NW, N_PER_W), jnp.float32),
    scratch_types=[
        pltpu.VMEM_SHARED((V,), jnp.float32),
        pltpu.VMEM((N_PER_W,), jnp.int32),
        pltpu.VMEM((N_PER_W,), jnp.float32),
        pltpu.SemaphoreType.DMA,
        pltpu.SemaphoreType.DMA,
        pltpu.SemaphoreType.DMA,
    ],
)
def _sc_gather(table_hbm, idx_hbm, out_hbm, table_sp, idx_v, rows_v, sem, isem, ssem):
    cid = lax.axis_index("c")
    sid = lax.axis_index("s")
    wid = sid * NC + cid

    idx_d = pltpu.async_copy(idx_hbm.at[wid], idx_v, isem)

    base = sid * STAGE
    loads = [
        pltpu.async_copy(
            table_hbm.at[pl.ds(base + s * SUBSTAGE, SUBSTAGE)],
            rows_v.at[pl.ds((s % 2) * SUBSTAGE, SUBSTAGE)],
            ssem,
        )
        for s in range(2)
    ]
    stores = []
    for s in range(NSUB):
        loads[s].wait()
        stores.append(
            pltpu.async_copy(
                rows_v.at[pl.ds((s % 2) * SUBSTAGE, SUBSTAGE)],
                table_sp.at[pl.ds(base + s * SUBSTAGE, SUBSTAGE)],
                sem,
            )
        )
        if s + 2 < NSUB:
            stores[s].wait()
            loads.append(
                pltpu.async_copy(
                    table_hbm.at[pl.ds(base + (s + 2) * SUBSTAGE, SUBSTAGE)],
                    rows_v.at[pl.ds((s % 2) * SUBSTAGE, SUBSTAGE)],
                    ssem,
                )
            )
    idx_d.wait()
    hbm_d = pltpu.async_copy(
        table_hbm.at[idx_v.at[pl.ds(SEG[2], KHBM)]],
        rows_v.at[pl.ds(SEG[2], KHBM)],
        isem,
    )
    for d in stores[-2:]:
        d.wait()

    @pl.when(sid == 0)
    def _():
        pltpu.sync_copy(
            table_hbm.at[pl.ds(NS * STAGE, STAGE_TAIL)],
            rows_v.at[pl.ds(0, STAGE_TAIL)],
        )
        pltpu.sync_copy(
            rows_v.at[pl.ds(0, STAGE_TAIL)],
            table_sp.at[pl.ds(NS * STAGE, STAGE_TAIL)],
        )

    plsc.subcore_barrier()
    sp_d = [
        pltpu.async_copy(
            table_sp.at[idx_v.at[pl.ds(SEG[k], SEG[k + 1] - SEG[k])]],
            rows_v.at[pl.ds(SEG[k], SEG[k + 1] - SEG[k])],
            sem,
        )
        for k in range(2)
    ]
    for d in sp_d:
        d.wait()
    hbm_d.wait()
    pltpu.sync_copy(rows_v, out_hbm.at[wid])


def kernel(inputs, importance_embedding):
    idx = inputs.astype(jnp.int32).reshape(NW, N_PER_W)
    out = _sc_gather(importance_embedding, idx)
    return out.reshape(B, S)

# --- scband reference (transcript-rebuilt; emitter-appended) ---
"""Pipeline reference for scband-token-importance-with-moving-avg-88802743812523 (READ-ONLY COPY).

The authoritative reference and input builder live on the scoring server;
editing this copy changes nothing except your own understanding.
"""

import jax, jax.numpy as jnp
import numpy as np

VOCAB_SIZE = 1000000
INIT_IMPORTANCE = 0.5

def setup_inputs(seed: int = 0) -> dict:
    key = jax.random.key(seed)
    k1, _ = jax.random.split(key)
    inputs = jax.random.randint(k1, (4096, 200), 0, VOCAB_SIZE, dtype=jnp.int64)
    importance_embedding = jnp.full((VOCAB_SIZE,), INIT_IMPORTANCE, dtype=jnp.float32)
    return {"inputs": inputs, "importance_embedding": importance_embedding}

def reference(inputs, importance_embedding):
    # call(): tf.gather(self._importance_embedding, inputs)
    return jnp.take(importance_embedding, inputs, axis=0)

if __name__ == "__main__":
    import jax
    _d = setup_inputs()
    print(jax.jit(kernel)(*tuple(_d.values())))

</pallas_src>

<mosaic_0001>
#map = affine_map<(d0, d1) -> (0)>
#map1 = affine_map<(d0, d1) -> (0, 0)>
module attributes {stable_mosaic.version = 14 : i64} {
  func.func @_sc_gather(%arg0: i32, %arg1: i32, %arg2: memref<1000000xf32, #tpu.memory_space<hbm>>, %arg3: memref<32x25600xi32, #tpu.memory_space<hbm>>, %arg4: memref<32x25600xf32, #tpu.memory_space<hbm>>, %arg5: memref<1000000xf32, #tpu.memory_space<vmem_shared>>, %arg6: memref<25600xi32, #tpu.memory_space<vmem>>, %arg7: memref<25600xf32, #tpu.memory_space<vmem>>, %arg8: memref<!tpu.dma_semaphore, #tpu.memory_space<semaphore_mem>>, %arg9: memref<!tpu.dma_semaphore, #tpu.memory_space<semaphore_mem>>, %arg10: memref<!tpu.dma_semaphore, #tpu.memory_space<semaphore_mem>>) attributes {dimension_semantics = [#tpu.dimension_semantics<core_parallel>, #tpu.dimension_semantics<subcore_parallel>], iteration_bounds = array<i64: 2, 16>, scalar_prefetch = 0 : i64, scratch_operands = 6 : i64, tpu.core_type = #tpu.core_type<sc_vector_subcore>, window_params = [{transform_indices = #map}, {transform_indices = #map1}, {transform_indices = #map1}]} {
    %mul3A = arith.constant 2 : i32
    %mul3A_0 = arith.muli %arg1, %mul3A : i32
    %add3A = arith.addi %mul3A_0, %arg0 : i32
    %dma_start3A = arith.constant 0 : i32
    %dma_start3A_1 = tpu.memref_slice %arg3[%add3A, %dma_start3A] : memref<32x25600xi32, #tpu.memory_space<hbm>> -> memref<1x25600xi32, #tpu.memory_space<hbm>>
    %dma_start3A_2 = tpu.memref_squeeze %dma_start3A_1 : memref<1x25600xi32, #tpu.memory_space<hbm>> -> memref<25600xi32, #tpu.memory_space<hbm>>
    %dma_start3A_3 = arith.constant 0 : i32
    %dma_start3A_4 = tpu.memref_slice %arg3[%add3A, %dma_start3A_3] : memref<32x25600xi32, #tpu.memory_space<hbm>> -> memref<1x25600xi32, #tpu.memory_space<hbm>>
    %dma_start3A_5 = tpu.memref_squeeze %dma_start3A_4 : memref<1x25600xi32, #tpu.memory_space<hbm>> -> memref<25600xi32, #tpu.memory_space<hbm>>
    tpu.enqueue_dma source(%dma_start3A_5 : memref<25600xi32, #tpu.memory_space<hbm>>) target(%arg6 : memref<25600xi32, #tpu.memory_space<vmem>>) target_semaphore(%arg9 : memref<!tpu.dma_semaphore, #tpu.memory_space<semaphore_mem>>)
    %mul3A_6 = arith.constant 62496 : i32
    %mul3A_7 = arith.muli %arg1, %mul3A_6 : i32
    %add3A_8 = arith.constant 0 : i32
    %add3A_9 = arith.addi %mul3A_7, %add3A_8 : i32
    %dma_start3A_10 = arith.constant 0 : i32
    %dma_start3A_11 = tpu.memref_slice %arg7[%dma_start3A_10] : memref<25600xf32, #tpu.memory_space<vmem>> -> memref<10416xf32, #tpu.memory_space<vmem>>
    %dma_start3A_12 = tpu.memref_slice %arg2[%add3A_9] : memref<1000000xf32, #tpu.memory_space<hbm>> -> memref<10416xf32, #tpu.memory_space<hbm>>
    %dma_start3A_13 = arith.constant 0 : i32
    %dma_start3A_14 = tpu.memref_slice %arg7[%dma_start3A_13] : memref<25600xf32, #tpu.memory_space<vmem>> -> memref<10416xf32, #tpu.memory_space<vmem>>
    %dma_start3A_15 = tpu.memref_slice %arg2[%add3A_9] : memref<1000000xf32, #tpu.memory_space<hbm>> -> memref<10416xf32, #tpu.memory_space<hbm>>
    tpu.enqueue_dma source(%dma_start3A_15 : memref<10416xf32, #tpu.memory_space<hbm>>) target(%dma_start3A_14 : memref<10416xf32, #tpu.memory_space<vmem>>) target_semaphore(%arg10 : memref<!tpu.dma_semaphore, #tpu.memory_space<semaphore_mem>>)
    %add3A_16 = arith.constant 10416 : i32
    %add3A_17 = arith.addi %mul3A_7, %add3A_16 : i32
    %dma_start3A_18 = arith.constant 10416 : i32
    %dma_start3A_19 = tpu.memref_slice %arg7[%dma_start3A_18] : memref<25600xf32, #tpu.memory_space<vmem>> -> memref<10416xf32, #tpu.memory_space<vmem>>
    %dma_start3A_20 = tpu.memref_slice %arg2[%add3A_17] : memref<1000000xf32, #tpu.memory_space<hbm>> -> memref<10416xf32, #tpu.memory_space<hbm>>
    %dma_start3A_21 = arith.constant 10416 : i32
    %dma_start3A_22 = tpu.memref_slice %arg7[%dma_start3A_21] : memref<25600xf32, #tpu.memory_space<vmem>> -> memref<10416xf32, #tpu.memory_space<vmem>>
    %dma_start3A_23 = tpu.memref_slice %arg2[%add3A_17] : memref<1000000xf32, #tpu.memory_space<hbm>> -> memref<10416xf32, #tpu.memory_space<hbm>>
    tpu.enqueue_dma source(%dma_start3A_23 : memref<10416xf32, #tpu.memory_space<hbm>>) target(%dma_start3A_22 : memref<10416xf32, #tpu.memory_space<vmem>>) target_semaphore(%arg10 : memref<!tpu.dma_semaphore, #tpu.memory_space<semaphore_mem>>)
    %dma_wait3A = arith.constant 0 : i32
    %dma_wait3A_24 = tpu.memref_slice %arg7[%dma_wait3A] : memref<25600xf32, #tpu.memory_space<vmem>> -> memref<10416xf32, #tpu.memory_space<vmem>>
    %dma_wait3A_25 = tpu.memref_slice %arg2[%add3A_9] : memref<1000000xf32, #tpu.memory_space<hbm>> -> memref<10416xf32, #tpu.memory_space<hbm>>
    %dma_wait3A_26 = arith.constant 0 : i32
    %dma_wait3A_27 = tpu.memref_slice %arg7[%dma_wait3A_26] : memref<25600xf32, #tpu.memory_space<vmem>> -> memref<10416xf32, #tpu.memory_space<vmem>>
    %dma_wait3A_28 = tpu.memref_slice %arg2[%add3A_9] : memref<1000000xf32, #tpu.memory_space<hbm>> -> memref<10416xf32, #tpu.memory_space<hbm>>
    tpu.wait_dma2 semaphore(%arg10 : memref<!tpu.dma_semaphore, #tpu.memory_space<semaphore_mem>>) src(%dma_wait3A_28 : memref<10416xf32, #tpu.memory_space<hbm>>) dst(%dma_wait3A_27 : memref<10416xf32, #tpu.memory_space<vmem>>)
    %add3A_29 = arith.constant 0 : i32
    %add3A_30 = arith.addi %mul3A_7, %add3A_29 : i32
    %dma_start3A_31 = arith.constant 0 : i32
    %dma_start3A_32 = tpu.memref_slice %arg7[%dma_start3A_31] : memref<25600xf32, #tpu.memory_space<vmem>> -> memref<10416xf32, #tpu.memory_space<vmem>>
    %dma_start3A_33 = tpu.memref_slice %arg5[%add3A_30] : memref<1000000xf32, #tpu.memory_space<vmem_shared>> -> memref<10416xf32, #tpu.memory_space<vmem_shared>>
    %dma_start3A_34 = tpu.memref_slice %arg5[%add3A_30] : memref<1000000xf32, #tpu.memory_space<vmem_shared>> -> memref<10416xf32, #tpu.memory_space<vmem_shared>>
    %dma_start3A_35 = arith.constant 0 : i32
    %dma_start3A_36 = tpu.memref_slice %arg7[%dma_start3A_35] : memref<25600xf32, #tpu.memory_space<vmem>> -> memref<10416xf32, #tpu.memory_space<vmem>>
    tpu.enqueue_dma source(%dma_start3A_36 : memref<10416xf32, #tpu.memory_space<vmem>>) target(%dma_start3A_34 : memref<10416xf32, #tpu.memory_space<vmem_shared>>) target_semaphore(%arg8 : memref<!tpu.dma_semaphore, #tpu.memory_space<semaphore_mem>>)
    %dma_wait3A_37 = arith.constant 0 : i32
    %dma_wait3A_38 = tpu.memref_slice %arg7[%dma_wait3A_37] : memref<25600xf32, #tpu.memory_space<vmem>> -> memref<10416xf32, #tpu.memory_space<vmem>>
    %dma_wait3A_39 = tpu.memref_slice %arg5[%add3A_30] : memref<1000000xf32, #tpu.memory_space<vmem_shared>> -> memref<10416xf32, #tpu.memory_space<vmem_shared>>
    %dma_wait3A_40 = tpu.memref_slice %arg5[%add3A_30] : memref<1000000xf32, #tpu.memory_space<vmem_shared>> -> memref<10416xf32, #tpu.memory_space<vmem_shared>>
    %dma_wait3A_41 = arith.constant 0 : i32
    %dma_wait3A_42 = tpu.memref_slice %arg7[%dma_wait3A_41] : memref<25600xf32, #tpu.memory_space<vmem>> -> memref<10416xf32, #tpu.memory_space<vmem>>
    tpu.wait_dma2 semaphore(%arg8 : memref<!tpu.dma_semaphore, #tpu.memory_space<semaphore_mem>>) src(%dma_wait3A_42 : memref<10416xf32, #tpu.memory_space<vmem>>) dst(%dma_wait3A_40 : memref<10416xf32, #tpu.memory_space<vmem_shared>>)
    %add3A_43 = arith.constant 20832 : i32
    %add3A_44 = arith.addi %mul3A_7, %add3A_43 : i32
    %dma_start3A_45 = arith.constant 0 : i32
    %dma_start3A_46 = tpu.memref_slice %arg7[%dma_start3A_45] : memref<25600xf32, #tpu.memory_space<vmem>> -> memref<10416xf32, #tpu.memory_space<vmem>>
    %dma_start3A_47 = tpu.memref_slice %arg2[%add3A_44] : memref<1000000xf32, #tpu.memory_space<hbm>> -> memref<10416xf32, #tpu.memory_space<hbm>>
    %dma_start3A_48 = arith.constant 0 : i32
    %dma_start3A_49 = tpu.memref_slice %arg7[%dma_start3A_48] : memref<25600xf32, #tpu.memory_space<vmem>> -> memref<10416xf32, #tpu.memory_space<vmem>>
    %dma_start3A_50 = tpu.memref_slice %arg2[%add3A_44] : memref<1000000xf32, #tpu.memory_space<hbm>> -> memref<10416xf32, #tpu.memory_space<hbm>>
    tpu.enqueue_dma source(%dma_start3A_50 : memref<10416xf32, #tpu.memory_space<hbm>>) target(%dma_start3A_49 : memref<10416xf32, #tpu.memory_space<vmem>>) target_semaphore(%arg10 : memref<!tpu.dma_semaphore, #tpu.memory_space<semaphore_mem>>)
    %dma_wait3A_51 = arith.constant 10416 : i32
    %dma_wait3A_52 = tpu.memref_slice %arg7[%dma_wait3A_51] : memref<25600xf32, #tpu.memory_space<vmem>> -> memref<10416xf32, #tpu.memory_space<vmem>>
    %dma_wait3A_53 = tpu.memref_slice %arg2[%add3A_17] : memref<1000000xf32, #tpu.memory_space<hbm>> -> memref<10416xf32, #tpu.memory_space<hbm>>
    %dma_wait3A_54 = arith.constant 10416 : i32
    %dma_wait3A_55 = tpu.memref_slice %arg7[%dma_wait3A_54] : memref<25600xf32, #tpu.memory_space<vmem>> -> memref<10416xf32, #tpu.memory_space<vmem>>
    %dma_wait3A_56 = tpu.memref_slice %arg2[%add3A_17] : memref<1000000xf32, #tpu.memory_space<hbm>> -> memref<10416xf32, #tpu.memory_space<hbm>>
    tpu.wait_dma2 semaphore(%arg10 : memref<!tpu.dma_semaphore, #tpu.memory_space<semaphore_mem>>) src(%dma_wait3A_56 : memref<10416xf32, #tpu.memory_space<hbm>>) dst(%dma_wait3A_55 : memref<10416xf32, #tpu.memory_space<vmem>>)
    %add3A_57 = arith.constant 10416 : i32
    %add3A_58 = arith.addi %mul3A_7, %add3A_57 : i32
    %dma_start3A_59 = arith.constant 10416 : i32
    %dma_start3A_60 = tpu.memref_slice %arg7[%dma_start3A_59] : memref<25600xf32, #tpu.memory_space<vmem>> -> memref<10416xf32, #tpu.memory_space<vmem>>
    %dma_start3A_61 = tpu.memref_slice %arg5[%add3A_58] : memref<1000000xf32, #tpu.memory_space<vmem_shared>> -> memref<10416xf32, #tpu.memory_space<vmem_shared>>
    %dma_start3A_62 = tpu.memref_slice %arg5[%add3A_58] : memref<1000000xf32, #tpu.memory_space<vmem_shared>> -> memref<10416xf32, #tpu.memory_space<vmem_shared>>
    %dma_start3A_63 = arith.constant 10416 : i32
    %dma_start3A_64 = tpu.memref_slice %arg7[%dma_start3A_63] : memref<25600xf32, #tpu.memory_space<vmem>> -> memref<10416xf32, #tpu.memory_space<vmem>>
    tpu.enqueue_dma source(%dma_start3A_64 : memref<10416xf32, #tpu.memory_space<vmem>>) target(%dma_start3A_62 : memref<10416xf32, #tpu.memory_space<vmem_shared>>) target_semaphore(%arg8 : memref<!tpu.dma_semaphore, #tpu.memory_space<semaphore_mem>>)
    %dma_wait3A_65 = arith.constant 10416 : i32
    %dma_wait3A_66 = tpu.memref_slice %arg7[%dma_wait3A_65] : memref<25600xf32, #tpu.memory_space<vmem>> -> memref<10416xf32, #tpu.memory_space<vmem>>
    %dma_wait3A_67 = tpu.memref_slice %arg5[%add3A_58] : memref<1000000xf32, #tpu.memory_space<vmem_shared>> -> memref<10416xf32, #tpu.memory_space<vmem_shared>>
    %dma_wait3A_68 = tpu.memref_slice %arg5[%add3A_58] : memref<1000000xf32, #tpu.memory_space<vmem_shared>> -> memref<10416xf32, #tpu.memory_space<vmem_shared>>
    %dma_wait3A_69 = arith.constant 10416 : i32
    %dma_wait3A_70 = tpu.memref_slice %arg7[%dma_wait3A_69] : memref<25600xf32, #tpu.memory_space<vmem>> -> memref<10416xf32, #tpu.memory_space<vmem>>
    tpu.wait_dma2 semaphore(%arg8 : memref<!tpu.dma_semaphore, #tpu.memory_space<semaphore_mem>>) src(%dma_wait3A_70 : memref<10416xf32, #tpu.memory_space<vmem>>) dst(%dma_wait3A_68 : memref<10416xf32, #tpu.memory_space<vmem_shared>>)
    %add3A_71 = arith.constant 31248 : i32
    %add3A_72 = arith.addi %mul3A_7, %add3A_71 : i32
    %dma_start3A_73 = arith.constant 10416 : i32
    %dma_start3A_74 = tpu.memref_slice %arg7[%dma_start3A_73] : memref<25600xf32, #tpu.memory_space<vmem>> -> memref<10416xf32, #tpu.memory_space<vmem>>
    %dma_start3A_75 = tpu.memref_slice %arg2[%add3A_72] : memref<1000000xf32, #tpu.memory_space<hbm>> -> memref<10416xf32, #tpu.memory_space<hbm>>
    %dma_start3A_76 = arith.constant 10416 : i32
    %dma_start3A_77 = tpu.memref_slice %arg7[%dma_start3A_76] : memref<25600xf32, #tpu.memory_space<vmem>> -> memref<10416xf32, #tpu.memory_space<vmem>>
    %dma_start3A_78 = tpu.memref_slice %arg2[%add3A_72] : memref<1000000xf32, #tpu.memory_space<hbm>> -> memref<10416xf32, #tpu.memory_space<hbm>>
    tpu.enqueue_dma source(%dma_start3A_78 : memref<10416xf32, #tpu.memory_space<hbm>>) target(%dma_start3A_77 : memref<10416xf32, #tpu.memory_space<vmem>>) target_semaphore(%arg10 : memref<!tpu.dma_semaphore, #tpu.memory_space<semaphore_mem>>)
    %dma_wait3A_79 = arith.constant 0 : i32
    %dma_wait3A_80 = tpu.memref_slice %arg7[%dma_wait3A_79] : memref<25600xf32, #tpu.memory_space<vmem>> -> memref<10416xf32, #tpu.memory_space<vmem>>
    %dma_wait3A_81 = tpu.memref_slice %arg2[%add3A_44] : memref<1000000xf32, #tpu.memory_space<hbm>> -> memref<10416xf32, #tpu.memory_space<hbm>>
    %dma_wait3A_82 = arith.constant 0 : i32
    %dma_wait3A_83 = tpu.memref_slice %arg7[%dma_wait3A_82] : memref<25600xf32, #tpu.memory_space<vmem>> -> memref<10416xf32, #tpu.memory_space<vmem>>
    %dma_wait3A_84 = tpu.memref_slice %arg2[%add3A_44] : memref<1000000xf32, #tpu.memory_space<hbm>> -> memref<10416xf32, #tpu.memory_space<hbm>>
    tpu.wait_dma2 semaphore(%arg10 : memref<!tpu.dma_semaphore, #tpu.memory_space<semaphore_mem>>) src(%dma_wait3A_84 : memref<10416xf32, #tpu.memory_space<hbm>>) dst(%dma_wait3A_83 : memref<10416xf32, #tpu.memory_space<vmem>>)
    %add3A_85 = arith.constant 20832 : i32
    %add3A_86 = arith.addi %mul3A_7, %add3A_85 : i32
    %dma_start3A_87 = arith.constant 0 : i32
    %dma_start3A_88 = tpu.memref_slice %arg7[%dma_start3A_87] : memref<25600xf32, #tpu.memory_space<vmem>> -> memref<10416xf32, #tpu.memory_space<vmem>>
    %dma_start3A_89 = tpu.memref_slice %arg5[%add3A_86] : memref<1000000xf32, #tpu.memory_space<vmem_shared>> -> memref<10416xf32, #tpu.memory_space<vmem_shared>>
    %dma_start3A_90 = tpu.memref_slice %arg5[%add3A_86] : memref<1000000xf32, #tpu.memory_space<vmem_shared>> -> memref<10416xf32, #tpu.memory_space<vmem_shared>>
    %dma_start3A_91 = arith.constant 0 : i32
    %dma_start3A_92 = tpu.memref_slice %arg7[%dma_start3A_91] : memref<25600xf32, #tpu.memory_space<vmem>> -> memref<10416xf32, #tpu.memory_space<vmem>>
    tpu.enqueue_dma source(%dma_start3A_92 : memref<10416xf32, #tpu.memory_space<vmem>>) target(%dma_start3A_90 : memref<10416xf32, #tpu.memory_space<vmem_shared>>) target_semaphore(%arg8 : memref<!tpu.dma_semaphore, #tpu.memory_space<semaphore_mem>>)
    %dma_wait3A_93 = arith.constant 0 : i32
    %dma_wait3A_94 = tpu.memref_slice %arg7[%dma_wait3A_93] : memref<25600xf32, #tpu.memory_space<vmem>> -> memref<10416xf32, #tpu.memory_space<vmem>>
    %dma_wait3A_95 = tpu.memref_slice %arg5[%add3A_86] : memref<1000000xf32, #tpu.memory_space<vmem_shared>> -> memref<10416xf32, #tpu.memory_space<vmem_shared>>
    %dma_wait3A_96 = tpu.memref_slice %arg5[%add3A_86] : memref<1000000xf32, #tpu.memory_space<vmem_shared>> -> memref<10416xf32, #tpu.memory_space<vmem_shared>>
    %dma_wait3A_97 = arith.constant 0 : i32
    %dma_wait3A_98 = tpu.memref_slice %arg7[%dma_wait3A_97] : memref<25600xf32, #tpu.memory_space<vmem>> -> memref<10416xf32, #tpu.memory_space<vmem>>
    tpu.wait_dma2 semaphore(%arg8 : memref<!tpu.dma_semaphore, #tpu.memory_space<semaphore_mem>>) src(%dma_wait3A_98 : memref<10416xf32, #tpu.memory_space<vmem>>) dst(%dma_wait3A_96 : memref<10416xf32, #tpu.memory_space<vmem_shared>>)
    %add3A_99 = arith.constant 41664 : i32
    %add3A_100 = arith.addi %mul3A_7, %add3A_99 : i32
    %dma_start3A_101 = arith.constant 0 : i32
    %dma_start3A_102 = tpu.memref_slice %arg7[%dma_start3A_101] : memref<25600xf32, #tpu.memory_space<vmem>> -> memref<10416xf32, #tpu.memory_space<vmem>>
    %dma_start3A_103 = tpu.memref_slice %arg2[%add3A_100] : memref<1000000xf32, #tpu.memory_space<hbm>> -> memref<10416xf32, #tpu.memory_space<hbm>>
    %dma_start3A_104 = arith.constant 0 : i32
    %dma_start3A_105 = tpu.memref_slice %arg7[%dma_start3A_104] : memref<25600xf32, #tpu.memory_space<vmem>> -> memref<10416xf32, #tpu.memory_space<vmem>>
    %dma_start3A_106 = tpu.memref_slice %arg2[%add3A_100] : memref<1000000xf32, #tpu.memory_space<hbm>> -> memref<10416xf32, #tpu.memory_space<hbm>>
    tpu.enqueue_dma source(%dma_start3A_106 : memref<10416xf32, #tpu.memory_space<hbm>>) target(%dma_start3A_105 : memref<10416xf32, #tpu.memory_space<vmem>>) target_semaphore(%arg10 : memref<!tpu.dma_semaphore, #tpu.memory_space<semaphore_mem>>)
    %dma_wait3A_107 = arith.constant 10416 : i32
    %dma_wait3A_108 = tpu.memref_slice %arg7[%dma_wait3A_107] : memref<25600xf32, #tpu.memory_space<vmem>> -> memref<10416xf32, #tpu.memory_space<vmem>>
    %dma_wait3A_109 = tpu.memref_slice %arg2[%add3A_72] : memref<1000000xf32, #tpu.memory_space<hbm>> -> memref<10416xf32, #tpu.memory_space<hbm>>
    %dma_wait3A_110 = arith.constant 10416 : i32
    %dma_wait3A_111 = tpu.memref_slice %arg7[%dma_wait3A_110] : memref<25600xf32, #tpu.memory_space<vmem>> -> memref<10416xf32, #tpu.memory_space<vmem>>
    %dma_wait3A_112 = tpu.memref_slice %arg2[%add3A_72] : memref<1000000xf32, #tpu.memory_space<hbm>> -> memref<10416xf32, #tpu.memory_space<hbm>>
    tpu.wait_dma2 semaphore(%arg10 : memref<!tpu.dma_semaphore, #tpu.memory_space<semaphore_mem>>) src(%dma_wait3A_112 : memref<10416xf32, #tpu.memory_space<hbm>>) dst(%dma_wait3A_111 : memref<10416xf32, #tpu.memory_space<vmem>>)
    %add3A_113 = arith.constant 31248 : i32
    %add3A_114 = arith.addi %mul3A_7, %add3A_113 : i32
    %dma_start3A_115 = arith.constant 10416 : i32
    %dma_start3A_116 = tpu.memref_slice %arg7[%dma_start3A_115] : memref<25600xf32, #tpu.memory_space<vmem>> -> memref<10416xf32, #tpu.memory_space<vmem>>
    %dma_start3A_117 = tpu.memref_slice %arg5[%add3A_114] : memref<1000000xf32, #tpu.memory_space<vmem_shared>> -> memref<10416xf32, #tpu.memory_space<vmem_shared>>
    %dma_start3A_118 = tpu.memref_slice %arg5[%add3A_114] : memref<1000000xf32, #tpu.memory_space<vmem_shared>> -> memref<10416xf32, #tpu.memory_space<vmem_shared>>
    %dma_start3A_119 = arith.constant 10416 : i32
    %dma_start3A_120 = tpu.memref_slice %arg7[%dma_start3A_119] : memref<25600xf32, #tpu.memory_space<vmem>> -> memref<10416xf32, #tpu.memory_space<vmem>>
    tpu.enqueue_dma source(%dma_start3A_120 : memref<10416xf32, #tpu.memory_space<vmem>>) target(%dma_start3A_118 : memref<10416xf32, #tpu.memory_space<vmem_shared>>) target_semaphore(%arg8 : memref<!tpu.dma_semaphore, #tpu.memory_space<semaphore_mem>>)
    %dma_wait3A_121 = arith.constant 10416 : i32
    %dma_wait3A_122 = tpu.memref_slice %arg7[%dma_wait3A_121] : memref<25600xf32, #tpu.memory_space<vmem>> -> memref<10416xf32, #tpu.memory_space<vmem>>
    %dma_wait3A_123 = tpu.memref_slice %arg5[%add3A_114] : memref<1000000xf32, #tpu.memory_space<vmem_shared>> -> memref<10416xf32, #tpu.memory_space<vmem_shared>>
    %dma_wait3A_124 = tpu.memref_slice %arg5[%add3A_114] : memref<1000000xf32, #tpu.memory_space<vmem_shared>> -> memref<10416xf32, #tpu.memory_space<vmem_shared>>
    %dma_wait3A_125 = arith.constant 10416 : i32
    %dma_wait3A_126 = tpu.memref_slice %arg7[%dma_wait3A_125] : memref<25600xf32, #tpu.memory_space<vmem>> -> memref<10416xf32, #tpu.memory_space<vmem>>
    tpu.wait_dma2 semaphore(%arg8 : memref<!tpu.dma_semaphore, #tpu.memory_space<semaphore_mem>>) src(%dma_wait3A_126 : memref<10416xf32, #tpu.memory_space<vmem>>) dst(%dma_wait3A_124 : memref<10416xf32, #tpu.memory_space<vmem_shared>>)
    %add3A_127 = arith.constant 52080 : i32
    %add3A_128 = arith.addi %mul3A_7, %add3A_127 : i32
    %dma_start3A_129 = arith.constant 10416 : i32
    %dma_start3A_130 = tpu.memref_slice %arg7[%dma_start3A_129] : memref<25600xf32, #tpu.memory_space<vmem>> -> memref<10416xf32, #tpu.memory_space<vmem>>
    %dma_start3A_131 = tpu.memref_slice %arg2[%add3A_128] : memref<1000000xf32, #tpu.memory_space<hbm>> -> memref<10416xf32, #tpu.memory_space<hbm>>
    %dma_start3A_132 = arith.constant 10416 : i32
    %dma_start3A_133 = tpu.memref_slice %arg7[%dma_start3A_132] : memref<25600xf32, #tpu.memory_space<vmem>> -> memref<10416xf32, #tpu.memory_space<vmem>>
    %dma_start3A_134 = tpu.memref_slice %arg2[%add3A_128] : memref<1000000xf32, #tpu.memory_space<hbm>> -> memref<10416xf32, #tpu.memory_space<hbm>>
    tpu.enqueue_dma source(%dma_start3A_134 : memref<10416xf32, #tpu.memory_space<hbm>>) target(%dma_start3A_133 : memref<10416xf32, #tpu.memory_space<vmem>>) target_semaphore(%arg10 : memref<!tpu.dma_semaphore, #tpu.memory_space<semaphore_mem>>)
    %dma_wait3A_135 = arith.constant 0 : i32
    %dma_wait3A_136 = tpu.memref_slice %arg7[%dma_wait3A_135] : memref<25600xf32, #tpu.memory_space<vmem>> -> memref<10416xf32, #tpu.memory_space<vmem>>
    %dma_wait3A_137 = tpu.memref_slice %arg2[%add3A_100] : memref<1000000xf32, #tpu.memory_space<hbm>> -> memref<10416xf32, #tpu.memory_space<hbm>>
    %dma_wait3A_138 = arith.constant 0 : i32
    %dma_wait3A_139 = tpu.memref_slice %arg7[%dma_wait3A_138] : memref<25600xf32, #tpu.memory_space<vmem>> -> memref<10416xf32, #tpu.memory_space<vmem>>
    %dma_wait3A_140 = tpu.memref_slice %arg2[%add3A_100] : memref<1000000xf32, #tpu.memory_space<hbm>> -> memref<10416xf32, #tpu.memory_space<hbm>>
    tpu.wait_dma2 semaphore(%arg10 : memref<!tpu.dma_semaphore, #tpu.memory_space<semaphore_mem>>) src(%dma_wait3A_140 : memref<10416xf32, #tpu.memory_space<hbm>>) dst(%dma_wait3A_139 : memref<10416xf32, #tpu.memory_space<vmem>>)
    %add3A_141 = arith.constant 41664 : i32
    %add3A_142 = arith.addi %mul3A_7, %add3A_141 : i32
    %dma_start3A_143 = arith.constant 0 : i32
    %dma_start3A_144 = tpu.memref_slice %arg7[%dma_start3A_143] : memref<25600xf32, #tpu.memory_space<vmem>> -> memref<10416xf32, #tpu.memory_space<vmem>>
    %dma_start3A_145 = tpu.memref_slice %arg5[%add3A_142] : memref<1000000xf32, #tpu.memory_space<vmem_shared>> -> memref<10416xf32, #tpu.memory_space<vmem_shared>>
    %dma_start3A_146 = tpu.memref_slice %arg5[%add3A_142] : memref<1000000xf32, #tpu.memory_space<vmem_shared>> -> memref<10416xf32, #tpu.memory_space<vmem_shared>>
    %dma_start3A_147 = arith.constant 0 : i32
    %dma_start3A_148 = tpu.memref_slice %arg7[%dma_start3A_147] : memref<25600xf32, #tpu.memory_space<vmem>> -> memref<10416xf32, #tpu.memory_space<vmem>>
    tpu.enqueue_dma source(%dma_start3A_148 : memref<10416xf32, #tpu.memory_space<vmem>>) target(%dma_start3A_146 : memref<10416xf32, #tpu.memory_space<vmem_shared>>) target_semaphore(%arg8 : memref<!tpu.dma_semaphore, #tpu.memory_space<semaphore_mem>>)
    %dma_wait3A_149 = arith.constant 10416 : i32
    %dma_wait3A_150 = tpu.memref_slice %arg7[%dma_wait3A_149] : memref<25600xf32, #tpu.memory_space<vmem>> -> memref<10416xf32, #tpu.memory_space<vmem>>
    %dma_wait3A_151 = tpu.memref_slice %arg2[%add3A_128] : memref<1000000xf32, #tpu.memory_space<hbm>> -> memref<10416xf32, #tpu.memory_space<hbm>>
    %dma_wait3A_152 = arith.constant 10416 : i32
    %dma_wait3A_153 = tpu.memref_slice %arg7[%dma_wait3A_152] : memref<25600xf32, #tpu.memory_space<vmem>> -> memref<10416xf32, #tpu.memory_space<vmem>>
    %dma_wait3A_154 = tpu.memref_slice %arg2[%add3A_128] : memref<1000000xf32, #tpu.memory_space<hbm>> -> memref<10416xf32, #tpu.memory_space<hbm>>
    tpu.wait_dma2 semaphore(%arg10 : memref<!tpu.dma_semaphore, #tpu.memory_space<semaphore_mem>>) src(%dma_wait3A_154 : memref<10416xf32, #tpu.memory_space<hbm>>) dst(%dma_wait3A_153 : memref<10416xf32, #tpu.memory_space<vmem>>)
    %add3A_155 = arith.constant 52080 : i32
    %add3A_156 = arith.addi %mul3A_7, %add3A_155 : i32
    %dma_start3A_157 = arith.constant 10416 : i32
    %dma_start3A_158 = tpu.memref_slice %arg7[%dma_start3A_157] : memref<25600xf32, #tpu.memory_space<vmem>> -> memref<10416xf32, #tpu.memory_space<vmem>>
    %dma_start3A_159 = tpu.memref_slice %arg5[%add3A_156] : memref<1000000xf32, #tpu.memory_space<vmem_shared>> -> memref<10416xf32, #tpu.memory_space<vmem_shared>>
    %dma_start3A_160 = tpu.memref_slice %arg5[%add3A_156] : memref<1000000xf32, #tpu.memory_space<vmem_shared>> -> memref<10416xf32, #tpu.memory_space<vmem_shared>>
    %dma_start3A_161 = arith.constant 10416 : i32
    %dma_start3A_162 = tpu.memref_slice %arg7[%dma_start3A_161] : memref<25600xf32, #tpu.memory_space<vmem>> -> memref<10416xf32, #tpu.memory_space<vmem>>
    tpu.enqueue_dma source(%dma_start3A_162 : memref<10416xf32, #tpu.memory_space<vmem>>) target(%dma_start3A_160 : memref<10416xf32, #tpu.memory_space<vmem_shared>>) target_semaphore(%arg8 : memref<!tpu.dma_semaphore, #tpu.memory_space<semaphore_mem>>)
    %dma_wait3A_163 = arith.constant 0 : i32
    %dma_wait3A_164 = tpu.memref_slice %arg3[%add3A, %dma_wait3A_163] : memref<32x25600xi32, #tpu.memory_space<hbm>> -> memref<1x25600xi32, #tpu.memory_space<hbm>>
    %dma_wait3A_165 = tpu.memref_squeeze %dma_wait3A_164 : memref<1x25600xi32, #tpu.memory_space<hbm>> -> memref<25600xi32, #tpu.memory_space<hbm>>
    %dma_wait3A_166 = arith.constant 0 : i32
    %dma_wait3A_167 = tpu.memref_slice %arg3[%add3A, %dma_wait3A_166] : memref<32x25600xi32, #tpu.memory_space<hbm>> -> memref<1x25600xi32, #tpu.memory_space<hbm>>
    %dma_wait3A_168 = tpu.memref_squeeze %dma_wait3A_167 : memref<1x25600xi32, #tpu.memory_space<hbm>> -> memref<25600xi32, #tpu.memory_space<hbm>>
    tpu.wait_dma2 semaphore(%arg9 : memref<!tpu.dma_semaphore, #tpu.memory_space<semaphore_mem>>) src(%dma_wait3A_168 : memref<25600xi32, #tpu.memory_space<hbm>>) dst(%arg6 : memref<25600xi32, #tpu.memory_space<vmem>>)
    %dma_start3A_169 = arith.constant 20832 : i32
    %dma_start3A_170 = tpu.memref_slice %arg7[%dma_start3A_169] : memref<25600xf32, #tpu.memory_space<vmem>> -> memref<4768xf32, #tpu.memory_space<vmem>>
    %dma_start3A_171 = arith.constant 20832 : i32
    %dma_start3A_172 = tpu.memref_slice %arg6[%dma_start3A_171] : memref<25600xi32, #tpu.memory_space<vmem>> -> memref<4768xi32, #tpu.memory_space<vmem>>
    %dma_start3A_173 = arith.constant 0 : i32
    %dma_start3A_174 = tpu.memref_slice %arg2[%dma_start3A_173] : memref<1000000xf32, #tpu.memory_space<hbm>> -> memref<1000000xf32, #tpu.memory_space<hbm>>
    tpu.enqueue_indirect_dma source(%dma_start3A_174 : memref<1000000xf32, #tpu.memory_space<hbm>>) target(%dma_start3A_170 : memref<4768xf32, #tpu.memory_space<vmem>>) offsets(%dma_start3A_172 : memref<4768xi32, #tpu.memory_space<vmem>>) semaphore(%arg9 : memref<!tpu.dma_semaphore, #tpu.memory_space<semaphore_mem>>)
    %dma_wait3A_175 = arith.constant 0 : i32
    %dma_wait3A_176 = tpu.memref_slice %arg7[%dma_wait3A_175] : memref<25600xf32, #tpu.memory_space<vmem>> -> memref<10416xf32, #tpu.memory_space<vmem>>
    %dma_wait3A_177 = tpu.memref_slice %arg5[%add3A_142] : memref<1000000xf32, #tpu.memory_space<vmem_shared>> -> memref<10416xf32, #tpu.memory_space<vmem_shared>>
    %dma_wait3A_178 = tpu.memref_slice %arg5[%add3A_142] : memref<1000000xf32, #tpu.memory_space<vmem_shared>> -> memref<10416xf32, #tpu.memory_space<vmem_shared>>
    %dma_wait3A_179 = arith.constant 0 : i32
    %dma_wait3A_180 = tpu.memref_slice %arg7[%dma_wait3A_179] : memref<25600xf32, #tpu.memory_space<vmem>> -> memref<10416xf32, #tpu.memory_space<vmem>>
    tpu.wait_dma2 semaphore(%arg8 : memref<!tpu.dma_semaphore, #tpu.memory_space<semaphore_mem>>) src(%dma_wait3A_180 : memref<10416xf32, #tpu.memory_space<vmem>>) dst(%dma_wait3A_178 : memref<10416xf32, #tpu.memory_space<vmem_shared>>)
    %dma_wait3A_181 = arith.constant 10416 : i32
    %dma_wait3A_182 = tpu.memref_slice %arg7[%dma_wait3A_181] : memref<25600xf32, #tpu.memory_space<vmem>> -> memref<10416xf32, #tpu.memory_space<vmem>>
    %dma_wait3A_183 = tpu.memref_slice %arg5[%add3A_156] : memref<1000000xf32, #tpu.memory_space<vmem_shared>> -> memref<10416xf32, #tpu.memory_space<vmem_shared>>
    %dma_wait3A_184 = tpu.memref_slice %arg5[%add3A_156] : memref<1000000xf32, #tpu.memory_space<vmem_shared>> -> memref<10416xf32, #tpu.memory_space<vmem_shared>>
    %dma_wait3A_185 = arith.constant 10416 : i32
    %dma_wait3A_186 = tpu.memref_slice %arg7[%dma_wait3A_185] : memref<25600xf32, #tpu.memory_space<vmem>> -> memref<10416xf32, #tpu.memory_space<vmem>>
    tpu.wait_dma2 semaphore(%arg8 : memref<!tpu.dma_semaphore, #tpu.memory_space<semaphore_mem>>) src(%dma_wait3A_186 : memref<10416xf32, #tpu.memory_space<vmem>>) dst(%dma_wait3A_184 : memref<10416xf32, #tpu.memory_space<vmem_shared>>)
    %eq3A = arith.constant 0 : i32
    %eq3A_187 = arith.cmpi eq, %arg1, %eq3A : i32
    %convert_element_type3A = arith.extui %eq3A_187 : i1 to i32
    %cond3A = arith.constant 0 : i32
    %cond3A_188 = arith.cmpi ne, %convert_element_type3A, %cond3A : i32
    scf.if %cond3A_188 {
      "tpu.region"() ({
        %run_scoped3A = tpu.sem_alloc : memref<!tpu.dma_semaphore, #tpu.memory_space<semaphore_mem>>
        %dma_start3A_219 = arith.constant 0 : i32
        %dma_start3A_220 = tpu.memref_slice %arg7[%dma_start3A_219] : memref<25600xf32, #tpu.memory_space<vmem>> -> memref<64xf32, #tpu.memory_space<vmem>>
        %dma_start3A_221 = arith.constant 999936 : i32
        %dma_start3A_222 = tpu.memref_slice %arg2[%dma_start3A_221] : memref<1000000xf32, #tpu.memory_space<hbm>> -> memref<64xf32, #tpu.memory_space<hbm>>
        %dma_start3A_223 = arith.constant 0 : i32
        %dma_start3A_224 = tpu.memref_slice %arg7[%dma_start3A_223] : memref<25600xf32, #tpu.memory_space<vmem>> -> memref<64xf32, #tpu.memory_space<vmem>>
        %dma_start3A_225 = arith.constant 999936 : i32
        %dma_start3A_226 = tpu.memref_slice %arg2[%dma_start3A_225] : memref<1000000xf32, #tpu.memory_space<hbm>> -> memref<64xf32, #tpu.memory_space<hbm>>
        tpu.enqueue_dma source(%dma_start3A_226 : memref<64xf32, #tpu.memory_space<hbm>>) target(%dma_start3A_224 : memref<64xf32, #tpu.memory_space<vmem>>) target_semaphore(%run_scoped3A : memref<!tpu.dma_semaphore, #tpu.memory_space<semaphore_mem>>)
        %dma_wait3A_227 = arith.constant 0 : i32
        %dma_wait3A_228 = tpu.memref_slice %arg7[%dma_wait3A_227] : memref<25600xf32, #tpu.memory_space<vmem>> -> memref<64xf32, #tpu.memory_space<vmem>>
        %dma_wait3A_229 = arith.constant 999936 : i32
        %dma_wait3A_230 = tpu.memref_slice %arg2[%dma_wait3A_229] : memref<1000000xf32, #tpu.memory_space<hbm>> -> memref<64xf32, #tpu.memory_space<hbm>>
        %dma_wait3A_231 = arith.constant 0 : i32
        %dma_wait3A_232 = tpu.memref_slice %arg7[%dma_wait3A_231] : memref<25600xf32, #tpu.memory_space<vmem>> -> memref<64xf32, #tpu.memory_space<vmem>>
        %dma_wait3A_233 = arith.constant 999936 : i32
        %dma_wait3A_234 = tpu.memref_slice %arg2[%dma_wait3A_233] : memref<1000000xf32, #tpu.memory_space<hbm>> -> memref<64xf32, #tpu.memory_space<hbm>>
        tpu.wait_dma2 semaphore(%run_scoped3A : memref<!tpu.dma_semaphore, #tpu.memory_space<semaphore_mem>>) src(%dma_wait3A_234 : memref<64xf32, #tpu.memory_space<hbm>>) dst(%dma_wait3A_232 : memref<64xf32, #tpu.memory_space<vmem>>)
        tpu.yield
      }) : () -> ()
      "tpu.region"() ({
        %run_scoped3A = tpu.sem_alloc : memref<!tpu.dma_semaphore, #tpu.memory_space<semaphore_mem>>
        %dma_start3A_219 = arith.constant 0 : i32
        %dma_start3A_220 = tpu.memref_slice %arg7[%dma_start3A_219] : memref<25600xf32, #tpu.memory_space<vmem>> -> memref<64xf32, #tpu.memory_space<vmem>>
        %dma_start3A_221 = arith.constant 999936 : i32
        %dma_start3A_222 = tpu.memref_slice %arg5[%dma_start3A_221] : memref<1000000xf32, #tpu.memory_space<vmem_shared>> -> memref<64xf32, #tpu.memory_space<vmem_shared>>
        %dma_start3A_223 = arith.constant 999936 : i32
        %dma_start3A_224 = tpu.memref_slice %arg5[%dma_start3A_223] : memref<1000000xf32, #tpu.memory_space<vmem_shared>> -> memref<64xf32, #tpu.memory_space<vmem_shared>>
        %dma_start3A_225 = arith.constant 0 : i32
        %dma_start3A_226 = tpu.memref_slice %arg7[%dma_start3A_225] : memref<25600xf32, #tpu.memory_space<vmem>> -> memref<64xf32, #tpu.memory_space<vmem>>
        tpu.enqueue_dma source(%dma_start3A_226 : memref<64xf32, #tpu.memory_space<vmem>>) target(%dma_start3A_224 : memref<64xf32, #tpu.memory_space<vmem_shared>>) target_semaphore(%run_scoped3A : memref<!tpu.dma_semaphore, #tpu.memory_space<semaphore_mem>>)
        %dma_wait3A_227 = arith.constant 0 : i32
        %dma_wait3A_228 = tpu.memref_slice %arg7[%dma_wait3A_227] : memref<25600xf32, #tpu.memory_space<vmem>> -> memref<64xf32, #tpu.memory_space<vmem>>
        %dma_wait3A_229 = arith.constant 999936 : i32
        %dma_wait3A_230 = tpu.memref_slice %arg5[%dma_wait3A_229] : memref<1000000xf32, #tpu.memory_space<vmem_shared>> -> memref<64xf32, #tpu.memory_space<vmem_shared>>
        %dma_wait3A_231 = arith.constant 999936 : i32
        %dma_wait3A_232 = tpu.memref_slice %arg5[%dma_wait3A_231] : memref<1000000xf32, #tpu.memory_space<vmem_shared>> -> memref<64xf32, #tpu.memory_space<vmem_shared>>
        %dma_wait3A_233 = arith.constant 0 : i32
        %dma_wait3A_234 = tpu.memref_slice %arg7[%dma_wait3A_233] : memref<25600xf32, #tpu.memory_space<vmem>> -> memref<64xf32, #tpu.memory_space<vmem>>
        tpu.wait_dma2 semaphore(%run_scoped3A : memref<!tpu.dma_semaphore, #tpu.memory_space<semaphore_mem>>) src(%dma_wait3A_234 : memref<64xf32, #tpu.memory_space<vmem>>) dst(%dma_wait3A_232 : memref<64xf32, #tpu.memory_space<vmem_shared>>)
        tpu.yield
      }) : () -> ()
    } else {
    }
    %barrier3A = arith.constant 0 : index
    tpu.barrier barrier_id(%barrier3A)
    %dma_start3A_189 = arith.constant 0 : i32
    %dma_start3A_190 = tpu.memref_slice %arg7[%dma_start3A_189] : memref<25600xf32, #tpu.memory_space<vmem>> -> memref<10416xf32, #tpu.memory_space<vmem>>
    %dma_start3A_191 = arith.constant 0 : i32
    %dma_start3A_192 = tpu.memref_slice %arg6[%dma_start3A_191] : memref<25600xi32, #tpu.memory_space<vmem>> -> memref<10416xi32, #tpu.memory_space<vmem>>
    %dma_start3A_193 = arith.constant 0 : i32
    %dma_start3A_194 = tpu.memref_slice %arg5[%dma_start3A_193] : memref<1000000xf32, #tpu.memory_space<vmem_shared>> -> memref<1000000xf32, #tpu.memory_space<vmem_shared>>
    tpu.enqueue_indirect_dma source(%dma_start3A_194 : memref<1000000xf32, #tpu.memory_space<vmem_shared>>) target(%dma_start3A_190 : memref<10416xf32, #tpu.memory_space<vmem>>) offsets(%dma_start3A_192 : memref<10416xi32, #tpu.memory_space<vmem>>) semaphore(%arg8 : memref<!tpu.dma_semaphore, #tpu.memory_space<semaphore_mem>>)
    %dma_start3A_195 = arith.constant 10416 : i32
    %dma_start3A_196 = tpu.memref_slice %arg7[%dma_start3A_195] : memref<25600xf32, #tpu.memory_space<vmem>> -> memref<10416xf32, #tpu.memory_space<vmem>>
    %dma_start3A_197 = arith.constant 10416 : i32
    %dma_start3A_198 = tpu.memref_slice %arg6[%dma_start3A_197] : memref<25600xi32, #tpu.memory_space<vmem>> -> memref<10416xi32, #tpu.memory_space<vmem>>
    %dma_start3A_199 = arith.constant 0 : i32
    %dma_start3A_200 = tpu.memref_slice %arg5[%dma_start3A_199] : memref<1000000xf32, #tpu.memory_space<vmem_shared>> -> memref<1000000xf32, #tpu.memory_space<vmem_shared>>
    tpu.enqueue_indirect_dma source(%dma_start3A_200 : memref<1000000xf32, #tpu.memory_space<vmem_shared>>) target(%dma_start3A_196 : memref<10416xf32, #tpu.memory_space<vmem>>) offsets(%dma_start3A_198 : memref<10416xi32, #tpu.memory_space<vmem>>) semaphore(%arg8 : memref<!tpu.dma_semaphore, #tpu.memory_space<semaphore_mem>>)
    %dma_wait3A_201 = arith.constant 0 : i32
    %dma_wait3A_202 = tpu.memref_slice %arg7[%dma_wait3A_201] : memref<25600xf32, #tpu.memory_space<vmem>> -> memref<10416xf32, #tpu.memory_space<vmem>>
    %dma_wait3A_203 = arith.constant 0 : i32
    %dma_wait3A_204 = tpu.memref_slice %arg6[%dma_wait3A_203] : memref<25600xi32, #tpu.memory_space<vmem>> -> memref<10416xi32, #tpu.memory_space<vmem>>
    %dma_wait3A_205 = arith.constant 0 : i32
    %dma_wait3A_206 = tpu.memref_slice %arg5[%dma_wait3A_205] : memref<1000000xf32, #tpu.memory_space<vmem_shared>> -> memref<1000000xf32, #tpu.memory_space<vmem_shared>>
    tpu.wait_indirect_dma semaphore(%arg8 : memref<!tpu.dma_semaphore, #tpu.memory_space<semaphore_mem>>) src(%dma_wait3A_206 : memref<1000000xf32, #tpu.memory_space<vmem_shared>>) dst(%dma_wait3A_202 : memref<10416xf32, #tpu.memory_space<vmem>>)
    %dma_wait3A_207 = arith.constant 10416 : i32
    %dma_wait3A_208 = tpu.memref_slice %arg7[%dma_wait3A_207] : memref<25600xf32, #tpu.memory_space<vmem>> -> memref<10416xf32, #tpu.memory_space<vmem>>
    %dma_wait3A_209 = arith.constant 10416 : i32
    %dma_wait3A_210 = tpu.memref_slice %arg6[%dma_wait3A_209] : memref<25600xi32, #tpu.memory_space<vmem>> -> memref<10416xi32, #tpu.memory_space<vmem>>
    %dma_wait3A_211 = arith.constant 0 : i32
    %dma_wait3A_212 = tpu.memref_slice %arg5[%dma_wait3A_211] : memref<1000000xf32, #tpu.memory_space<vmem_shared>> -> memref<1000000xf32, #tpu.memory_space<vmem_shared>>
    tpu.wait_indirect_dma semaphore(%arg8 : memref<!tpu.dma_semaphore, #tpu.memory_space<semaphore_mem>>) src(%dma_wait3A_212 : memref<1000000xf32, #tpu.memory_space<vmem_shared>>) dst(%dma_wait3A_208 : memref<10416xf32, #tpu.memory_space<vmem>>)
    %dma_wait3A_213 = arith.constant 20832 : i32
    %dma_wait3A_214 = tpu.memref_slice %arg7[%dma_wait3A_213] : memref<25600xf32, #tpu.memory_space<vmem>> -> memref<4768xf32, #tpu.memory_space<vmem>>
    %dma_wait3A_215 = arith.constant 20832 : i32
    %dma_wait3A_216 = tpu.memref_slice %arg6[%dma_wait3A_215] : memref<25600xi32, #tpu.memory_space<vmem>> -> memref<4768xi32, #tpu.memory_space<vmem>>
    %dma_wait3A_217 = arith.constant 0 : i32
    %dma_wait3A_218 = tpu.memref_slice %arg2[%dma_wait3A_217] : memref<1000000xf32, #tpu.memory_space<hbm>> -> memref<1000000xf32, #tpu.memory_space<hbm>>
    tpu.wait_indirect_dma semaphore(%arg9 : memref<!tpu.dma_semaphore, #tpu.memory_space<semaphore_mem>>) src(%dma_wait3A_218 : memref<1000000xf32, #tpu.memory_space<hbm>>) dst(%dma_wait3A_214 : memref<4768xf32, #tpu.memory_space<vmem>>)
    "tpu.region"() ({
      %run_scoped3A = tpu.sem_alloc : memref<!tpu.dma_semaphore, #tpu.memory_space<semaphore_mem>>
      %dma_start3A_219 = arith.constant 0 : i32
      %dma_start3A_220 = tpu.memref_slice %arg4[%add3A, %dma_start3A_219] : memref<32x25600xf32, #tpu.memory_space<hbm>> -> memref<1x25600xf32, #tpu.memory_space<hbm>>
      %dma_start3A_221 = tpu.memref_squeeze %dma_start3A_220 : memref<1x25600xf32, #tpu.memory_space<hbm>> -> memref<25600xf32, #tpu.memory_space<hbm>>
      %dma_start3A_222 = arith.constant 0 : i32
      %dma_start3A_223 = tpu.memref_slice %arg4[%add3A, %dma_start3A_222] : memref<32x25600xf32, #tpu.memory_space<hbm>> -> memref<1x25600xf32, #tpu.memory_space<hbm>>
      %dma_start3A_224 = tpu.memref_squeeze %dma_start3A_223 : memref<1x25600xf32, #tpu.memory_space<hbm>> -> memref<25600xf32, #tpu.memory_space<hbm>>
      tpu.enqueue_dma source(%arg7 : memref<25600xf32, #tpu.memory_space<vmem>>) target(%dma_start3A_224 : memref<25600xf32, #tpu.memory_space<hbm>>) target_semaphore(%run_scoped3A : memref<!tpu.dma_semaphore, #tpu.memory_space<semaphore_mem>>)
      %dma_wait3A_225 = arith.constant 0 : i32
      %dma_wait3A_226 = tpu.memref_slice %arg4[%add3A, %dma_wait3A_225] : memref<32x25600xf32, #tpu.memory_space<hbm>> -> memref<1x25600xf32, #tpu.memory_space<hbm>>
      %dma_wait3A_227 = tpu.memref_squeeze %dma_wait3A_226 : memref<1x25600xf32, #tpu.memory_space<hbm>> -> memref<25600xf32, #tpu.memory_space<hbm>>
      %dma_wait3A_228 = arith.constant 0 : i32
      %dma_wait3A_229 = tpu.memref_slice %arg4[%add3A, %dma_wait3A_228] : memref<32x25600xf32, #tpu.memory_space<hbm>> -> memref<1x25600xf32, #tpu.memory_space<hbm>>
      %dma_wait3A_230 = tpu.memref_squeeze %dma_wait3A_229 : memref<1x25600xf32, #tpu.memory_space<hbm>> -> memref<25600xf32, #tpu.memory_space<hbm>>
      tpu.wait_dma2 semaphore(%run_scoped3A : memref<!tpu.dma_semaphore, #tpu.memory_space<semaphore_mem>>) src(%arg7 : memref<25600xf32, #tpu.memory_space<vmem>>) dst(%dma_wait3A_230 : memref<25600xf32, #tpu.memory_space<hbm>>)
      tpu.yield
    }) : () -> ()
    return
  }
}

</mosaic_0001>

<sc_bundles>
// kernel: kernel.3.cloned.1.call-start
scs
__scs_entry_jumppad:
0x0: {  	(pc) =	sbr.rel $0x88, $3  }
0x1: {  	(tag) =	ssettag $0x0;
	lr =	simm.s32 $0x1  }
0x2: {  	[smem:$0x3F9F] =	sst lr;
	_ =	strace $0xD0000000  }
0x3: {  	_ = 	snop  }
0x4: {  	_ = 	snop  }
0x5: {  	_ = 	snop  }
0x6: {  	_ = 	snop  }
0x7: {  	_ = 	snop  }
__scs_overlays_trampoline_lowered:
0x8: {  	[smem:$0x3FAE] =	sst s0  }
0x9: {  	[smem:$0x3FAF] =	sst s1  }
0xa: {  	[smem:$0x3FB0] =	sst s2  }
0xb: {  	[smem:$0x3FB1] =	sst s3  }
0xc: {  	[smem:$0x3FB2] =	sst s4  }
0xd: {  	[smem:$0x3FB3] =	sst s5  }
0xe: {  	[smem:$0x3FB4] =	sst s6  }
0xf: {  	[smem:$0x3FB5] =	sst s7  }
0x10: {  	[smem:$0x3FB6] =	sst s8  }
0x11: {  	[smem:$0x3FB7] =	sst s9;
	s0 =	simm.s32 @!p0 $0x0  }
0x12: {  	s1 =	sld [smem:$0x3F9D];
	s0 =	simm.s32 @p0 $0x1  }
0x13: {  	[smem:$0x3FB8] =	sst s0;
	s0 =	simm.s32 @!p1 $0x0  }
0x14: {  	s2 =	sld [smem:$0x3F9C];
	s0 =	simm.s32 @p1 $0x1  }
0x15: {  	[smem:$0x3FB9] =	sst s0;
	s0 =	simm.s32 @!p2 $0x0  }
0x16: {  	s3 =	sld [smem:$0x3FDB];
	s0 =	simm.s32 @p2 $0x1  }
0x17: {  	s4 =	simm.s32 $0x1BF5;
	[smem:$0x3FBB] =	sst s0  }
0x18: {  	s0 =	sld [smem:$0x3F9E];
	_ =	swait.ge [sflag:s4], $0x0  }
0x19: {  	s7 =	sld [smem:$0x3F9F]  }
0x1a: {  	s8 =	sadd.s32 $0xFFFFE003, lr  }
0x1b: {  	s9 =	sadd.s32 $0xFFFFFEF7, lr;
	s5 =	simm.s32 $0xFFFFFFFF;
	p2 =	slt.u32 s8, $0xFFFFF086  }
0x1c: {  	p1 =	slt.u32 s9, $0xF7A;
	s5 =	simm.s32 @!p2 $0x0  }
0x1d: {  	s5 =	simm.s32 @p1 $0x1;
	p0 =	seq.s32 s7, s2  }
0x1e: {  	s7 =	smul.u32 @!p0 $0xF7A, s2;
	p2 =	seq.s32 @!p0 s5, $0x0  }
0x1f: {  	s9 =	smul.u32 $0xF7A, s1;
	s8 =	simm.s32 @!p0 $0x1BF5;
	p2 =	por !p2, p0  }
0x20: {  	[sflag:s8] =	ssyncset.s32 @!p0 $0xFFFFF086;
	s6 =	sadd.s32 @!p0 s3, s7;
	s7 =	simm.s32 @!p0 $0x108  }
0x21: {  	s3 =	sadd.s32 s3, s9;
	s6 =	sadd.s32 @!p0 $0x88, s6;
	s7 =	simm.s32 @p2 $0x1082  }
0x22: {  	[simem:s7], [sflag:s8] =	dma.local @!p0 [hbm:s6], $0xF7A  }
0x23: {  	s9 =	sor.u32 $0xD0000000, s2;
	s6 =	simm.s32 $0x108;
	_ =	swait.ge @!p0 [sflag:s8], $0x0  }
0x24: {  	s3 =	sadd.s32 $0x88, s3;
	s6 =	simm.s32 @!p1 $0x1082;
	[sflag:s4] =	ssyncset.s32 $0xFFFFF086  }
0x25: {  	[simem:s6], [sflag:s4] =	dma.local [hbm:s3], $0xF7A  }
0x26: {  	[smem:$0x3F9F] =	sst s1;
	(tag) =	ssettag s2;
	_ =	strace s9  }
0x27: {  	s1 =	sld [smem:$0x3FAF]  }
0x28: {  	s2 =	sld [smem:$0x3FB0]  }
0x29: {  	s4 =	sld [smem:$0x3FB2]  }
0x2a: {  	p0 =	seq.s32 s5, $0x0;
	s5 =	sld [smem:$0x3FB3]  }
0x2b: {  	s6 =	sld [smem:$0x3FB4]  }
0x2c: {  	s7 =	sld [smem:$0x3FB5]  }
0x2d: {  	s3 =	simm.s32 $0x108;
	s8 =	sld [smem:$0x3FB6]  }
0x2e: {  	s3 =	simm.s32 @!p0 $0x1082;
	s9 =	sld [smem:$0x3FB7]  }
0x2f: {  	lr =	sadd.s32 s0, s3;
	s0 =	sld [smem:$0x3FAE]  }
0x30: {  	s3 =	sld [smem:$0x3FB1]  }
0x31: {  	[smem:$0x3FBA] =	sst s10  }
0x32: {  	s10 =	sld [smem:$0x3FB8];
	_ =	sdelay $0x3  }
0x33: {  	p0 =	seq.s32 s10, $0x1;
	s10 =	sld [smem:$0x3FBA];
	_ =	sdelay $0x3  }
0x34: {  	[smem:$0x3FBA] =	sst s10  }
0x35: {  	s10 =	sld [smem:$0x3FB9];
	_ =	sdelay $0x3  }
0x36: {  	p1 =	seq.s32 s10, $0x1;
	s10 =	sld [smem:$0x3FBA];
	_ =	sdelay $0x3  }
0x37: {  	[smem:$0x3FBA] =	sst s10  }
0x38: {  	s10 =	sld [smem:$0x3FBB]  }
0x39: {  	_ = 	snop;
	(pc) =	sbr.ind lr, $3  }
0x3a: {  	_ = 	snop  }
0x3b: {  	_ = 	snop  }
0x3c: {  	p2 =	seq.s32 s10, $0x1;
	s10 =	sld [smem:$0x3FBA]  }
0x3d: {  	_ =	shalt  }
0x3e: {  	_ =	shalt  }
0x3f: {  	_ =	shalt  }
0x40: {  	_ =	shalt  }
0x41: {  	_ =	shalt  }
0x42: {  	_ =	shalt  }
0x43: {  	_ =	shalt  }
0x44: {  	_ =	shalt  }
0x45: {  	_ =	shalt  }
0x46: {  	_ =	shalt  }
0x47: {  	_ =	shalt  }
0x48: {  	_ =	shalt  }
0x49: {  	_ =	shalt  }
0x4a: {  	_ =	shalt  }
0x4b: {  	_ =	shalt  }
0x4c: {  	_ =	shalt  }
0x4d: {  	_ =	shalt  }
0x4e: {  	_ =	shalt  }
0x4f: {  	_ =	shalt  }
0x50: {  	_ =	shalt  }
0x51: {  	_ =	shalt  }
0x52: {  	_ =	shalt  }
0x53: {  	_ =	shalt  }
0x54: {  	_ =	shalt  }
0x55: {  	_ =	shalt  }
0x56: {  	_ =	shalt  }
0x57: {  	_ =	shalt  }
0x58: {  	_ =	shalt  }
0x59: {  	_ =	shalt  }
0x5a: {  	_ =	shalt  }
0x5b: {  	_ =	shalt  }
0x5c: {  	_ =	shalt  }
0x5d: {  	_ =	shalt  }
0x5e: {  	_ =	shalt  }
0x5f: {  	_ =	shalt  }
0x60: {  	_ =	shalt  }
0x61: {  	_ =	shalt  }
0x62: {  	_ =	shalt  }
0x63: {  	_ =	shalt  }
0x64: {  	_ =	shalt  }
0x65: {  	_ =	shalt  }
0x66: {  	_ =	shalt  }
0x67: {  	_ =	shalt  }
0x68: {  	_ =	shalt  }
0x69: {  	_ =	shalt  }
0x6a: {  	_ =	shalt  }
0x6b: {  	_ =	shalt  }
0x6c: {  	_ =	shalt  }
0x6d: {  	_ =	shalt  }
0x6e: {  	_ =	shalt  }
0x6f: {  	_ =	shalt  }
0x70: {  	_ =	shalt  }
0x71: {  	_ =	shalt  }
0x72: {  	_ =	shalt  }
0x73: {  	_ =	shalt  }
0x74: {  	_ =	shalt  }
0x75: {  	_ =	shalt  }
0x76: {  	_ =	shalt  }
0x77: {  	_ =	shalt  }
0x78: {  	_ =	shalt  }
0x79: {  	_ =	shalt  }
0x7a: {  	_ =	shalt  }
0x7b: {  	_ =	shalt  }
0x7c: {  	_ =	shalt  }
0x7d: {  	_ =	shalt  }
0x7e: {  	_ =	shalt  }
0x7f: {  	_ =	shalt  }
0x80: {  	_ =	shalt  }
0x81: {  	_ =	shalt  }
0x82: {  	_ =	shalt  }
0x83: {  	_ =	shalt  }
0x84: {  	_ =	shalt  }
0x85: {  	_ =	shalt  }
0x86: {  	_ =	shalt  }
0x87: {  	_ =	shalt  }
.Lfunc_end0:
.L_simem_size_0:
called_computation_lowered:
.L_overlay_start_0:
0x88: {  	s2 =	sld [smem:$0x3FD9]  }
0x89: {  	s3 =	sld [smem:$0x3FFE];
	_ =	sdelay $0x1  }
0x8a: {  	s1 =	srdreg.scid  }
0x8b: {  	s0 =	sand.u32 $0x1, s1  }
0x8c: {  	s17 =	sshll.u32 s0, $0xA;
	s2 =	sadd.s32 s3, s2  }
0x8d: {  	s2 =	sadd.s32 s2, s17  }
0x8e: {  	[smem:$0x3FC6] =	sst s2  }
0x8f: {  	_ = 	snop  }
0x90: {  	s2 =	sld [smem:$0x3FC8]  }
0x91: {  	s18 =	sld [smem:$0x3FD0];
	(tm) =	ssettm $0x1  }
0x92: {  	s4 =	sld [smem:$0x3FFB];
	_ =	sdelay $0x3  }
0x93: {  	_ =	strace s4  }
0x94: {  	s4 =	sld [smem:$0x3FFC];
	_ =	sdelay $0x3  }
0x95: {  	_ =	strace s4  }
0x96: {  	s4 =	sld [smem:$0x3FFD];
	_ =	sdelay $0x3  }
0x97: {  	_ =	strace s4  }
0x98: {  	_ =	strace $0x8FFFFFFF  }
0x99: {  	s19 =	sld [smem:$0x3FDB];
	_ =	sdelay $0x1  }
0x9a: {  	s5 =	simm.s32 $_scs_section_size  }
0x9b: {  	s6 =	simm.s32 $_size__tile_overlayer_lowered;
	s7 =	simm.s32 $_tile_overlayer_lowered  }
0x9c: {  	s22 =	simm.s32 $0x1BFF;
	s21 =	sshll.u32 s7, $0x1;
	s4 =	sadd.s32 s5, s19  }
0x9d: {  	s8 =	simm.s32 $0x0;
	s20 =	sshll.u32 s6, $0x1;
	s6 =	sadd.s32 s21, s4  }
0x9e: {  	[timem:s8], [sflag:s22] =	dma.local [hbm:s6], s20  }
0x9f: {  	_ =	swait.ge [sflag:s22], s20  }
0xa0: {  	s5 =	ssub.s32 $0x0, s20;
	[sflag:s22] =	ssyncset.done $0x0  }
0xa1: {  	[sflag:s22] =	ssyncadd.s32 s5;
	_ =	sdelay $0x1  }
0xa2: {  	s23 =	simm.s32 $0x1B8B  }
0xa3: {  	_ =	swait.ge [sflag:s23], $0x1  }
0xa4: {  	[sflag:s23] =	ssyncset.done $0x0  }
0xa5: {  	s25 =	simm.s32 $0x1B8E;
	s24 =	sld [smem:$0x3FFE];
	[sflag:s23] =	ssyncadd.s32 $0xFFFFFFFF  }
0xa6: {  	s26 =	simm.s32 $execute0_lowered;
	[smem:$0x3FD2] =	sst s25  }
0xa7: {  	s6 =	sshll.u32 s26, $0x1;
	_ =	strace $0x80000046;
	[dreg:$0x1] =	wrdreg $0xFFFFFFFF  }
0xa8: {  	s28 =	simm.s32 $_size_execute0_lowered;
	s4 =	sadd.s32 s4, s6;
	[dreg:$0x0] =	wrdreg $0x0  }
0xa9: {  	s6 =	sshll.u32 s28, $0x1;
	[dreg:$0x2] =	wrdreg s4  }
0xaa: {  	[dreg:$0x3] =	wrdreg s6  }
0xab: {  	[dreg:$0x4] =	wrdreg $0xC0  }
0xac: {  	_ =	task [dreg:s8], $0x5FFFF  }
0xad: {  	[dreg:$0x1] =	wrdreg $0xFFFFFFFF  }
0xae: {  	[dreg:$0x0] =	wrdreg $0x60  }
0xaf: {  	[dreg:$0x2] =	wrdreg s2  }
0xb0: {  	[dreg:$0x3] =	wrdreg s18  }
0xb1: {  	[dreg:$0x4] =	wrdreg s24  }
0xb2: {  	[dreg:$0x5] =	wrdreg $0x0  }
0xb3: {  	[dreg:$0x6] =	wrdreg $0x9  }
0xb4: {  	_ =	task.clear_ibuf [dreg:s8], $0x7FFFF;
	_ =	strace $0x90000046  }
0xb5: {  	s29 =	simm.s32 $0x9;
	_ =	strace $0x80000048  }
0xb6: {  	_ =	swait.ge [sflag:s29], $0x1  }
0xb7: {  	[sflag:s29] =	ssyncadd.s32 $0xFFFFFFFF  }
0xb8: {  	_ =	strace $0x90000048  }
0xb9: {  	_ =	sfence  }
0xba: {  	s30 =	sld [smem:$0x0];
	_ =	sdelay $0x2  }
0xbb: {  	s31 =	sshll.u32 s1, $0xD;
	s1 =	sshrl.u32 s1, $0x2  }
0xbc: {  	s3 =	sand.u32 $0x4000, s31;
	s1 =	sadd.s32 s1, s30  }
0xbd: {  	s0 =	sor.u32 s3, s0;
	s1 =	sshll.u32 s1, $0x11  }
0xbe: {  	s0 =	sor.u32 s1, s0  }
0xbf: {  	s0 =	sadd.s32 $0x8F2B, s0  }
0xc0: {  	[sflag:s0] =	ssyncadd.remote.s32 $0x1  }
0xc1: {  	_ =	sfence.sel $0xFFFF  }
0xc2: {  	[dreg:$0x0] =	wrdreg $0xFFFFFFFF;
	(pc) =	sbr.abs _section_cstart, $3  }
0xc3: {  	[dreg:$0x1] =	wrdreg $0xFFFFFFFF  }
0xc4: {  	_ =	task.clear_ibuf [dreg:s8], $0x2FFFF;
	_ =	strace $0x9FFFFFFF  }
0xc5: {  	(tm) =	ssettm $0x7FFFFFFF  }
tec
execute0_lowered:
.L_overlay_start_1:
0x0: {  	(tag) =	ssettag $0x1  }
0x1: {  	s0 =	rddreg [dreg:$0x0]  }
0x2: {  	s4 =	rddreg [dreg:$0x1]  }
0x3: {  	s29 =	rddreg [dreg:$0x2]  }
0x4: {  	s1 =	rddreg [dreg:$0x3];
	s22 =	stileid.u32  }
0x5: {  	s2 =	srdreg.scid;
	s8 =	sshrl.u32 s22, $0x2;
	s14 =	smul.u32 $0xF420, s22  }
0x6: {  	s30 =	sand.u32 $0x1, s2;
	s3 =	sshll.u32 s22, $0x8;
	s5 =	smul.u32 $0x32000, s8  }
0x7: {  	s6 =	sshll.u32 s30, $0x7;
	s7 =	sand.u32 $0x300, s3;
	s3 =	simm.s32 $0x0  }
0x8: {  	s6 =	sor.u32 s6, s7;
	[smem:$0x7FF] =	sst s3;
	s9 =	sshrl.u32 s14, $0x3  }
0x9: {  	s10 =	sadd.s32 $0x28B0, s14;
	s11 =	sadd.s32 $0x5160, s14;
	s16 =	sadd.s32 s14, s1  }
0xa: {  	_ =	strace $0x80000047;
	s12 =	sadd.s32 s0, s9;
	[dreg:$0x8] =	wrdreg s16  }
0xb: {  	s13 =	sshrl.u32 s10, $0x3;
	s19 =	sadd.s32 s10, s1;
	[dreg:$0x6] =	wrdreg s12  }
0xc: {  	s17 =	sshrl.u32 s11, $0x3;
	s15 =	sadd.s32 s0, s13;
	[dreg:$0xa] =	wrdreg s19  }
0xd: {  	s5 =	sor.u32 s5, s6;
	s18 =	sadd.s32 s0, s17;
	[dreg:$0x7] =	wrdreg s15  }
0xe: {  	s31 =	sshrl.u32 s5, $0x3;
	[dreg:$0x9] =	wrdreg s18  }
0xf: {  	s6 =	simm.s32 $0xF428;
	s4 =	sadd.s32 s4, s31;
	s9 =	rddreg [dreg:$0x6]  }
0x10: {  	s13 =	sadd.s32 $0x7A10, s14;
	s5 =	simm.s32 $0x400;
	[dreg:$0x5] =	wrdreg s4  }
0x11: {  	s8 =	sshrl.u32 s13, $0x3;
	s4 =	simm.s32 $0x80;
	s20 =	rddreg [dreg:$0x5]  }
0x12: {  	[tilespmem:s6], [sflag:$0x2] =	stream.strided.gather [hbm4b:s20+s4], $0x6400, s5, s4, $0x38;
	[tilespmem:$0x1BC28] =	vst v63  }
0x13: {  	s7 =	simm.s32 $0x15828;
	s8 =	sadd.s32 s0, s8;
	s10 =	rddreg [dreg:$0x7]  }
0x14: {  	[tilespmem:s7], [sflag:$0x3] =	stream.linear.gather [hbm4b:s9+s3], $0x28B0, $0x38;
	[tilespmem:$0x1BC28] =	vst v63  }
0x15: {  	[dreg:$0xb] =	wrdreg s8;
	s8 =	simm.s32 $0x180D8;
	s9 =	simm.s32 $0x3  }
0x16: {  	[tilespmem:s8], [sflag:$0x3] =	stream.linear.gather [hbm4b:s10+s3], $0x28B0, $0x38;
	[tilespmem:$0x1BC28] =	vst v63  }
0x17: {  	_ =	swait.ge [sflag:s9], $0x28B0  }
0x18: {  	[sflag:s9] =	ssyncset.done $0x0  }
0x19: {  	s10 =	simm.s32 $0x1;
	s12 =	rddreg [dreg:$0x8];
	[sflag:s9] =	ssyncadd.s32 $0xFFFFD750  }
0x1a: {  	[spmem:s12] =	stream.linear.scatter [tilespmem:s7], [sflag:$0x1], $0x28B0, $0x38;
	[tilespmem:$0x1BC28] =	vst v63  }
0x1b: {  	_ =	swait.ge [sflag:s10], $0x28B0  }
0x1c: {  	[sflag:s10] =	ssyncset.done $0x0  }
0x1d: {  	s21 =	rddreg [dreg:$0x9];
	[sflag:s10] =	ssyncadd.s32 $0xFFFFD750  }
0x1e: {  	[tilespmem:s7], [sflag:$0x3] =	stream.linear.gather [hbm4b:s21+s3], $0x28B0, $0x38;
	[tilespmem:$0x1BC28] =	vst v63  }
0x1f: {  	_ =	swait.ge [sflag:s9], $0x28B0  }
0x20: {  	[sflag:s9] =	ssyncset.done $0x0  }
0x21: {  	s23 =	rddreg [dreg:$0xa];
	[sflag:s9] =	ssyncadd.s32 $0xFFFFD750  }
0x22: {  	[spmem:s23] =	stream.linear.scatter [tilespmem:s8], [sflag:$0x1], $0x28B0, $0x38;
	[tilespmem:$0x1BC28] =	vst v63  }
0x23: {  	_ =	swait.ge [sflag:s10], $0x28B0  }
0x24: {  	[sflag:s10] =	ssyncset.done $0x0  }
0x25: {  	s24 =	rddreg [dreg:$0xb];
	[sflag:s10] =	ssyncadd.s32 $0xFFFFD750  }
0x26: {  	[tilespmem:s8], [sflag:$0x3] =	stream.linear.gather [hbm4b:s24+s3], $0x28B0, $0x38;
	[tilespmem:$0x1BC28] =	vst v63  }
0x27: {  	_ =	swait.ge [sflag:s9], $0x28B0  }
0x28: {  	[sflag:s9] =	ssyncset.done $0x0  }
0x29: {  	s11 =	sadd.s32 s11, s1;
	[sflag:s9] =	ssyncadd.s32 $0xFFFFD750  }
0x2a: {  	[spmem:s11] =	stream.linear.scatter [tilespmem:s7], [sflag:$0x1], $0x28B0, $0x38;
	[tilespmem:$0x1BC28] =	vst v63  }
0x2b: {  	s15 =	sadd.s32 $0xA2C0, s14;
	_ =	swait.ge [sflag:s10], $0x28B0  }
0x2c: {  	s25 =	sshrl.u32 s15, $0x3;
	[sflag:s10] =	ssyncset.done $0x0  }
0x2d: {  	s12 =	sadd.s32 s0, s25;
	[sflag:s10] =	ssyncadd.s32 $0xFFFFD750  }
0x2e: {  	[tilespmem:s7], [sflag:$0x3] =	stream.linear.gather [hbm4b:s12+s3], $0x28B0, $0x38;
	[tilespmem:$0x1BC28] =	vst v63  }
0x2f: {  	_ =	swait.ge [sflag:s9], $0x28B0  }
0x30: {  	[sflag:s9] =	ssyncset.done $0x0  }
0x31: {  	s13 =	sadd.s32 s13, s1;
	[sflag:s9] =	ssyncadd.s32 $0xFFFFD750  }
0x32: {  	[spmem:s13] =	stream.linear.scatter [tilespmem:s8], [sflag:$0x1], $0x28B0, $0x38;
	[tilespmem:$0x1BC28] =	vst v63  }
0x33: {  	s16 =	sadd.s32 $0xCB70, s14;
	_ =	swait.ge [sflag:s10], $0x28B0  }
0x34: {  	s14 =	sshrl.u32 s16, $0x3;
	[sflag:s10] =	ssyncset.done $0x0  }
0x35: {  	s14 =	sadd.s32 s0, s14;
	[sflag:s10] =	ssyncadd.s32 $0xFFFFD750  }
0x36: {  	[tilespmem:s8], [sflag:$0x3] =	stream.linear.gather [hbm4b:s14+s3], $0x28B0, $0x38;
	[tilespmem:$0x1BC28] =	vst v63  }
0x37: {  	_ =	swait.ge [sflag:s9], $0x28B0  }
0x38: {  	[sflag:s9] =	ssyncset.done $0x0  }
0x39: {  	s15 =	sadd.s32 s15, s1;
	[sflag:s9] =	ssyncadd.s32 $0xFFFFD750  }
0x3a: {  	[spmem:s15] =	stream.linear.scatter [tilespmem:s7], [sflag:$0x1], $0x28B0, $0x38;
	[tilespmem:$0x1BC28] =	vst v63  }
0x3b: {  	_ =	swait.ge [sflag:s9], $0x28B0  }
0x3c: {  	[sflag:s9] =	ssyncset.done $0x0  }
0x3d: {  	s17 =	simm.s32 $0x2;
	s16 =	sadd.s32 s16, s1;
	[sflag:s9] =	ssyncadd.s32 $0xFFFFD750  }
0x3e: {  	[spmem:s16] =	stream.linear.scatter [tilespmem:s8], [sflag:$0x1], $0x28B0, $0x38;
	[tilespmem:$0x1BC28] =	vst v63  }
0x3f: {  	_ =	swait.ge [sflag:s17], $0x6400  }
0x40: {  	s26 =	simm.s32 $0x12A0;
	[sflag:s17] =	ssyncset.done $0x0  }
0x41: {  	s18 =	simm.s32 $0x14588;
	s21 =	simm.s32 $0x1A988;
	[sflag:s17] =	ssyncadd.s32 $0xFFFF9C00  }
0x42: {  	[tilespmem:s21], [sflag:$0x2] =	stream.indirect.gather [hbm4b:s0+s26], $0x1, s18, s26, $0xb8;
	[tilespmem:$0x1BC28] =	vst v63  }
0x43: {  	_ =	swait.ge [sflag:s10], $0x28B0  }
0x44: {  	[sflag:s10] =	ssyncset.done $0x0  }
0x45: {  	[sflag:s10] =	ssyncadd.s32 $0xFFFFD750  }
0x46: {  	p0 =	sne.s32 s22, $0x0;
	_ =	swait.ge [sflag:s10], $0x28B0  }
0x47: {  	s22 =	simm.s32 @!p0 $0x0;
	s23 =	simm.s32 @!p0 $0x15828;
	[sflag:s10] =	ssyncset.done $0x0  }
0x48: {  	s24 =	simm.s32 @!p0 $0x4;
	s21 =	sadd.s32 $0x1E840, s0;
	[sflag:s10] =	ssyncadd.s32 $0xFFFFD750  }
0x49: {  	[tilespmem:s23], [sflag:$0x4] =	stream.linear.gather @!p0 [hbm4b:s21+s22], $0x40, $0x38;
	[tilespmem:$0x1BC28] =	vst v63  }
0x4a: {  	_ =	swait.ge @!p0 [sflag:s24], $0x40  }
0x4b: {  	[sflag:s24] =	ssyncset.done @!p0 $0x0  }
0x4c: {  	s25 =	sadd.s32 $0xF4200, s1;
	[sflag:s24] =	ssyncadd.s32 @!p0 $0xFFFFFFC0  }
0x4d: {  	[spmem:s25] =	stream.linear.scatter @!p0 [tilespmem:s23], [sflag:$0x4], $0x40, $0x38;
	[tilespmem:$0x1BC28] =	vst v63  }
0x4e: {  	_ =	swait.ge @!p0 [sflag:s24], $0x40  }
0x4f: {  	[sflag:s24] =	ssyncset.done @!p0 $0x0  }
0x50: {  	[sflag:s24] =	ssyncadd.s32 @!p0 $0xFFFFFFC0  }
0x51: {  	s26 =	simm.s32 $0x28B0;
	[bflag:$0x0] =	sbarrier.arrive $0xFFFF  }
0x52: {  	[tilespmem:s7], [sflag:$0x1] =	stream.indirect.gather [spmem:s1], $0x1, s6, s26, $0xb8;
	[tilespmem:$0x1BC28] =	vst v63  }
0x53: {  	s28 =	simm.s32 $0x11CD8  }
0x54: {  	[tilespmem:s8], [sflag:$0x1] =	stream.indirect.gather [spmem:s1], $0x1, s28, s26, $0xb8;
	[tilespmem:$0x1BC28] =	vst v63  }
0x55: {  	s30 =	ssub.s32 $0x2, s30;
	_ =	swait.ge [sflag:s10], $0x28B0  }
0x56: {  	s18 =	sshrl.u32 s30, $0x1;
	[sflag:s10] =	ssyncset.done $0x0  }
0x57: {  	s2 =	ssub.s32 s30, s18;
	[sflag:s10] =	ssyncadd.s32 $0xFFFFD750  }
0x58: {  	s2 =	smax.u32 s2, $0x1;
	_ =	swait.ge [sflag:s10], $0x28B0  }
0x59: {  	s30 =	sadd.s32 $0xFFFFFFFF, s2;
	[sflag:s10] =	ssyncset.done $0x0  }
0x5a: {  	p1 =	sne.s32 s30, $0x0;
	[sflag:s10] =	ssyncadd.s32 $0xFFFFD750  }
.Ltmp0:
0x5b: {  	_ =	swait.ge [sflag:s17], $0x12A0;
	(pc) =	sbr.rel @!p1 .LBB2_3-.Ltmp0, $4  }
0x5c: {  	s29 =	sadd.s32 s31, s29;
	[sflag:s17] =	ssyncset.done $0x0  }
0x5d: {  	s31 =	simm.s32 $0x4;
	s29 =	sadd.s32 $0x400, s29;
	[sflag:s17] =	ssyncadd.s32 $0xFFFFED60  }
0x5e: {  	[hbm4b:s29+s4] =	stream.strided.scatter [tilespmem:s7], [sflag:$0x4], $0x6400, s5, s4, $0x38;
	[tilespmem:$0x1BC28] =	vst v63  }
0x5f: {  	s19 =	simm.s32 $0x1A988;
	s20 =	simm.s32 $0x14588;
	_ =	swait.ge [sflag:s31], $0x6400  }
0x60: {  	s18 =	smov.u32 s0  }
.LBB2_2:
0x61: {  	[sflag:s31] =	ssyncset.done $0x0  }
0x62: {  	s2 =	rddreg [dreg:$0x5];
	[sflag:s31] =	ssyncadd.s32 $0xFFFF9C00  }
0x63: {  	[tilespmem:s6], [sflag:$0x2] =	stream.strided.gather [hbm4b:s2+s4], $0x6400, s5, s4, $0x38;
	[tilespmem:$0x1BC28] =	vst v63  }
0x64: {  	s0 =	rddreg [dreg:$0x6]  }
0x65: {  	[tilespmem:s7], [sflag:$0x3] =	stream.linear.gather [hbm4b:s0+s3], $0x28B0, $0x38;
	[tilespmem:$0x1BC28] =	vst v63  }
0x66: {  	s2 =	rddreg [dreg:$0x7]  }
0x67: {  	[tilespmem:s8], [sflag:$0x3] =	stream.linear.gather [hbm4b:s2+s3], $0x28B0, $0x38;
	[tilespmem:$0x1BC28] =	vst v63  }
0x68: {  	_ =	swait.ge [sflag:s9], $0x28B0  }
0x69: {  	[sflag:s9] =	ssyncset.done $0x0  }
0x6a: {  	s2 =	rddreg [dreg:$0x8];
	[sflag:s9] =	ssyncadd.s32 $0xFFFFD750  }
0x6b: {  	[spmem:s2] =	stream.linear.scatter [tilespmem:s7], [sflag:$0x1], $0x28B0, $0x38;
	[tilespmem:$0x1BC28] =	vst v63  }
0x6c: {  	_ =	swait.ge [sflag:s10], $0x28B0  }
0x6d: {  	[sflag:s10] =	ssyncset.done $0x0  }
0x6e: {  	s2 =	rddreg [dreg:$0x9];
	[sflag:s10] =	ssyncadd.s32 $0xFFFFD750  }
0x6f: {  	[tilespmem:s7], [sflag:$0x3] =	stream.linear.gather [hbm4b:s2+s3], $0x28B0, $0x38;
	[tilespmem:$0x1BC28] =	vst v63  }
0x70: {  	_ =	swait.ge [sflag:s9], $0x28B0  }
0x71: {  	[sflag:s9] =	ssyncset.done $0x0  }
0x72: {  	s2 =	rddreg [dreg:$0xa];
	[sflag:s9] =	ssyncadd.s32 $0xFFFFD750  }
0x73: {  	[spmem:s2] =	stream.linear.scatter [tilespmem:s8], [sflag:$0x1], $0x28B0, $0x38;
	[tilespmem:$0x1BC28] =	vst v63  }
0x74: {  	_ =	swait.ge [sflag:s10], $0x28B0  }
0x75: {  	[sflag:s10] =	ssyncset.done $0x0  }
0x76: {  	s2 =	rddreg [dreg:$0xb];
	[sflag:s10] =	ssyncadd.s32 $0xFFFFD750  }
0x77: {  	[tilespmem:s8], [sflag:$0x3] =	stream.linear.gather [hbm4b:s2+s3], $0x28B0, $0x38;
	[tilespmem:$0x1BC28] =	vst v63  }
0x78: {  	_ =	swait.ge [sflag:s9], $0x28B0  }
0x79: {  	[sflag:s9] =	ssyncset.done $0x0  }
0x7a: {  	[sflag:s9] =	ssyncadd.s32 $0xFFFFD750  }
0x7b: {  	[spmem:s11] =	stream.linear.scatter [tilespmem:s7], [sflag:$0x1], $0x28B0, $0x38;
	[tilespmem:$0x1BC28] =	vst v63  }
0x7c: {  	_ =	swait.ge [sflag:s10], $0x28B0  }
0x7d: {  	[sflag:s10] =	ssyncset.done $0x0  }
0x7e: {  	[sflag:s10] =	ssyncadd.s32 $0xFFFFD750  }
0x7f: {  	[tilespmem:s7], [sflag:$0x3] =	stream.linear.gather [hbm4b:s12+s3], $0x28B0, $0x38;
	[tilespmem:$0x1BC28] =	vst v63  }
0x80: {  	_ =	swait.ge [sflag:s9], $0x28B0  }
0x81: {  	[sflag:s9] =	ssyncset.done $0x0  }
0x82: {  	[sflag:s9] =	ssyncadd.s32 $0xFFFFD750  }
0x83: {  	[spmem:s13] =	stream.linear.scatter [tilespmem:s8], [sflag:$0x1], $0x28B0, $0x38;
	[tilespmem:$0x1BC28] =	vst v63  }
0x84: {  	_ =	swait.ge [sflag:s10], $0x28B0  }
0x85: {  	[sflag:s10] =	ssyncset.done $0x0  }
0x86: {  	[sflag:s10] =	ssyncadd.s32 $0xFFFFD750  }
0x87: {  	[tilespmem:s8], [sflag:$0x3] =	stream.linear.gather [hbm4b:s14+s3], $0x28B0, $0x38;
	[tilespmem:$0x1BC28] =	vst v63  }
0x88: {  	_ =	swait.ge [sflag:s9], $0x28B0  }
0x89: {  	[sflag:s9] =	ssyncset.done $0x0  }
0x8a: {  	[sflag:s9] =	ssyncadd.s32 $0xFFFFD750  }
0x8b: {  	[spmem:s15] =	stream.linear.scatter [tilespmem:s7], [sflag:$0x1], $0x28B0, $0x38;
	[tilespmem:$0x1BC28] =	vst v63  }
0x8c: {  	_ =	swait.ge [sflag:s9], $0x28B0  }
0x8d: {  	[sflag:s9] =	ssyncset.done $0x0  }
0x8e: {  	[sflag:s9] =	ssyncadd.s32 $0xFFFFD750  }
0x8f: {  	[spmem:s16] =	stream.linear.scatter [tilespmem:s8], [sflag:$0x1], $0x28B0, $0x38;
	[tilespmem:$0x1BC28] =	vst v63  }
0x90: {  	_ =	swait.ge [sflag:s17], $0x6400  }
0x91: {  	[sflag:s17] =	ssyncset.done $0x0  }
0x92: {  	s2 =	simm.s32 $0x12A0;
	[sflag:s17] =	ssyncadd.s32 $0xFFFF9C00  }
0x93: {  	[tilespmem:s19], [sflag:$0x2] =	stream.indirect.gather [hbm4b:s18+s2], $0x1, s20, s2, $0xb8;
	[tilespmem:$0x1BC28] =	vst v63  }
0x94: {  	_ =	swait.ge [sflag:s10], $0x28B0  }
0x95: {  	[sflag:s10] =	ssyncset.done $0x0  }
0x96: {  	[sflag:s10] =	ssyncadd.s32 $0xFFFFD750  }
0x97: {  	_ =	swait.ge [sflag:s10], $0x28B0  }
0x98: {  	[sflag:s10] =	ssyncset.done $0x0  }
0x99: {  	[sflag:s10] =	ssyncadd.s32 $0xFFFFD750  }
0x9a: {  	[tilespmem:s23], [sflag:$0x4] =	stream.linear.gather @!p0 [hbm4b:s21+s22], $0x40, $0x38;
	[tilespmem:$0x1BC28] =	vst v63  }
0x9b: {  	_ =	swait.ge @!p0 [sflag:s24], $0x40  }
0x9c: {  	[sflag:s24] =	ssyncset.done @!p0 $0x0  }
0x9d: {  	[sflag:s24] =	ssyncadd.s32 @!p0 $0xFFFFFFC0  }
0x9e: {  	[spmem:s25] =	stream.linear.scatter @!p0 [tilespmem:s23], [sflag:$0x4], $0x40, $0x38;
	[tilespmem:$0x1BC28] =	vst v63  }
0x9f: {  	_ =	swait.ge @!p0 [sflag:s24], $0x40  }
0xa0: {  	[sflag:s24] =	ssyncset.done @!p0 $0x0  }
0xa1: {  	[sflag:s24] =	ssyncadd.s32 @!p0 $0xFFFFFFC0  }
0xa2: {  	[bflag:$0x0] =	sbarrier.arrive $0xFFFF  }
0xa3: {  	[tilespmem:s7], [sflag:$0x1] =	stream.indirect.gather [spmem:s1], $0x1, s6, s26, $0xb8;
	[tilespmem:$0x1BC28] =	vst v63  }
0xa4: {  	_ = 	snop  }
0xa5: {  	[tilespmem:s8], [sflag:$0x1] =	stream.indirect.gather [spmem:s1], $0x1, s28, s26, $0xb8;
	[tilespmem:$0x1BC28] =	vst v63  }
0xa6: {  	_ =	swait.ge [sflag:s10], $0x28B0  }
0xa7: {  	[sflag:s10] =	ssyncset.done $0x0  }
0xa8: {  	[sflag:s10] =	ssyncadd.s32 $0xFFFFD750  }
0xa9: {  	_ =	swait.ge [sflag:s10], $0x28B0  }
0xaa: {  	s30 =	sadd.s32 $0xFFFFFFFF, s30;
	[sflag:s10] =	ssyncset.done $0x0  }
0xab: {  	p1 =	sne.s32 s30, $0x0;
	[sflag:s10] =	ssyncadd.s32 $0xFFFFD750  }
.Ltmp1:
0xac: {  	_ =	swait.ge [sflag:s17], $0x12A0;
	(pc) =	sbr.rel @p1 .LBB2_2-.Ltmp1, $4  }
0xad: {  	[sflag:s17] =	ssyncset.done $0x0  }
0xae: {  	[sflag:s17] =	ssyncadd.s32 $0xFFFFED60  }
0xaf: {  	[hbm4b:s29+s4] =	stream.strided.scatter [tilespmem:s7], [sflag:$0x4], $0x6400, s5, s4, $0x38;
	[tilespmem:$0x1BC28] =	vst v63  }
0xb0: {  	_ =	swait.ge [sflag:s31], $0x6400  }
.LBB2_3:
0xb1: {  	[sflag:s31] =	ssyncset.done $0x0  }
0xb2: {  	[sflag:s31] =	ssyncadd.s32 $0xFFFF9C00  }
0xb3: {  	_ =	sfence.sel $0x180000  }
0xb4: {  	[bflag:$0x0] =	sbarrier.arrive $0xFFFF  }
0xb5: {  	_ =	strace $0x90000047  }
0xb6: {  	[bflag:$0x2] =	sbarrier.arrive $0xFFFF  }
0xb7: {  	s0 =	rddreg [dreg:$0x4]  }
0xb8: {  	s0 =	sadd.s32 @!p0 $0x100000, s0  }
0xb9: {  	[sflag:s0] =	ssyncadd.tile.s32 @!p0 $0x1;
	_ =	shalt  }
.Lfunc_end2:
_tile_overlayer_lowered:
.L_overlay_start_2:
0xba: {  	(tag) =	ssettag $0x2  }
0xbb: {  	s0 =	rddreg [dreg:$0x0];
	s2 =	stileid.u32  }
0xbc: {  	s1 =	rddreg [dreg:$0x1];
	p0 =	sne.s32 s2, $0x0  }
0xbd: {  	s3 =	rddreg [dreg:$0x2];
	[bflag:$0x3] =	sbarrier.arrive $0xFFFF;
	s2 =	simm.s32 @!p0 $0x1C04  }
0xbe: {  	[timem:s3], [sflag:s2] =	dma.local @!p0 [hbm:s0], s1  }
0xbf: {  	s0 =	simm.s32 @!p0 $0x4  }
0xc0: {  	_ =	swait.ge @!p0 [sflag:s0], s1  }
0xc1: {  	s1 =	ssub.s32 @!p0 $0x0, s1;
	[sflag:s0] =	ssyncset.done @!p0 $0x0  }
0xc2: {  	[sflag:s0] =	ssyncadd.s32 @!p0 s1  }
0xc3: {  	[bflag:$0x3] =	sbarrier.arrive $0xFFFF  }
0xc4: {  	_ =	shalt  }

</sc_bundles>
